<compile_context>
chip_gen: v7x
topology: tpu7x:2x2x1
jax: 0.10.2.dev20260603
libtpu: 0.0.44.dev20260713+nightly
codegen_flags: <defaults>
</compile_context>

<pallas_src>
import functools

import jax
import jax.numpy as jnp
from jax import lax
from jax.experimental import pallas as pl
from jax.experimental.pallas import tpu as pltpu
from jax.experimental.pallas import tpu_sc as plsc

ROWS = 64
VOCAB = 1_000_000
VBLK = 8192
NBLK = (VOCAB + VBLK - 1) // VBLK
FLAT = ROWS * VOCAB
CHUNK = ROWS * VBLK


def _fused_body(x_ref, tok_ref, z_ref, vmax_ref, vidx_ref):
    i = pl.program_id(0)
    nb = pl.num_programs(0)
    x = x_ref[...]

    @pl.when(i == 0)
    def _init():
        vmax_ref[...] = jnp.full((ROWS, 1), -jnp.inf, jnp.float32)
        vidx_ref[...] = jnp.zeros((ROWS, 1), jnp.int32)

    z_ref[...] = jnp.zeros((ROWS, VBLK), jnp.float32)

    bmax = jnp.max(x, axis=1, keepdims=True)

    @pl.when(jnp.logical_and(i < nb - 1, jnp.any(bmax > vmax_ref[...])))
    def _update():
        upd = bmax > vmax_ref[...]
        col = lax.broadcasted_iota(jnp.int32, (ROWS, VBLK), 1) + i * VBLK
        bidx = jnp.min(
            jnp.where(x == bmax, col, jnp.int32(2**31 - 1)),
            axis=1, keepdims=True,
        )
        vidx_ref[...] = jnp.where(upd, bidx, vidx_ref[...])
        vmax_ref[...] = jnp.where(upd, bmax, vmax_ref[...])

    @pl.when(i == nb - 1)
    def _tail():
        col = lax.broadcasted_iota(jnp.int32, (ROWS, VBLK), 1) + i * VBLK
        xm = jnp.where(col < VOCAB, x, -jnp.inf)
        tmax = jnp.max(xm, axis=1, keepdims=True)
        upd = tmax > vmax_ref[...]
        bidx = jnp.min(
            jnp.where(xm == tmax, col, jnp.int32(2**31 - 1)),
            axis=1, keepdims=True,
        )
        vidx_ref[...] = jnp.where(upd, bidx, vidx_ref[...])
        tok_ref[...] = vidx_ref[...]


def _fused_pass(logits):
    return pl.pallas_call(
        _fused_body,
        grid=(NBLK,),
        in_specs=[pl.BlockSpec((ROWS, VBLK), lambda i: (0, i))],
        out_specs=[
            pl.BlockSpec((ROWS, 1), lambda i: (0, 0)),
            pl.BlockSpec((ROWS, VBLK), lambda i: (0, i)),
        ],
        out_shape=[
            jax.ShapeDtypeStruct((ROWS, 1), jnp.int32),
            jax.ShapeDtypeStruct((ROWS, VOCAB), jnp.float32),
        ],
        scratch_shapes=[
            pltpu.VMEM((ROWS, 1), jnp.float32),
            pltpu.VMEM((ROWS, 1), jnp.int32),
        ],
        compiler_params=pltpu.CompilerParams(
            dimension_semantics=("arbitrary",)
        ),
    )(logits)


_SC_MESH = plsc.VectorSubcoreMesh(core_axis_name="c", subcore_axis_name="s")


@functools.partial(
    pl.kernel,
    out_type=jax.ShapeDtypeStruct((ROWS,), jnp.int32),
    mesh=_SC_MESH,
    scratch_types=[
        pltpu.VMEM((ROWS,), jnp.int32),
        pltpu.VMEM((ROWS,), jnp.int32),
        pltpu.VMEM((ROWS,), jnp.float32),
        pltpu.SemaphoreType.DMA,
    ],
)
def _scatter_ones(tok_hbm, probs_hbm, tok_out, tok_v, idx_v, ones_v, sem):
    c = lax.axis_index("c")
    s = lax.axis_index("s")

    @pl.when(jnp.logical_and(c == 0, s == 0))
    def _():
        pltpu.sync_copy(tok_hbm, tok_v)
        for k in range(ROWS // 16):
            t = tok_v[pl.ds(k * 16, 16)]
            row = lax.iota(jnp.int32, 16) + k * 16
            idx_v[pl.ds(k * 16, 16)] = row * VOCAB + t
            ones_v[pl.ds(k * 16, 16)] = jnp.full((16,), 1.0, jnp.float32)
        pltpu.async_copy(ones_v, probs_hbm.at[idx_v], sem).wait()
        pltpu.sync_copy(tok_v, tok_out)


def kernel(logits, eos_token_ids):
    tok2, probs2d = _fused_pass(logits)
    pflat = probs2d.reshape(FLAT)
    tokens = _scatter_ones(tok2.reshape(ROWS), pflat)
    tokens_b, pflat_b = lax.optimization_barrier((tokens, pflat))
    return tokens_b, pflat_b.reshape(ROWS, VOCAB)

# --- scband reference (transcript-rebuilt; emitter-appended) ---
"""Pipeline reference for scband-sampler-44040594653444 (READ-ONLY COPY).

The authoritative reference and input builder live on the scoring server;
editing this copy changes nothing except your own understanding.
"""

import jax, jax.numpy as jnp
import numpy as np

TARGET_VOCAB = 1000000

def setup_inputs(seed: int = 0) -> dict:
    key = jax.random.key(seed)
    k1, k2 = jax.random.split(key)
    logits = jax.random.normal(k1, (64, 1000000), dtype=jnp.float32)
    eos_token_ids = jax.random.randint(k2, (2,), 0, 1000000, dtype=jnp.int64 if jax.config.jax_enable_x64 else jnp.int32)
    return {"logits": logits, "eos_token_ids": eos_token_ids}

def reference(logits, eos_token_ids):
    # Sampler.forward with sampling_params=None -> greedy path
    current_vocab_size = logits.shape[-1]
    if current_vocab_size > TARGET_VOCAB:
        logits = logits[..., :TARGET_VOCAB]
    sampled_tokens = jnp.argmax(logits, axis=-1)
    num_classes = logits.shape[-1]
    # one_hot -> float probs, same as F.one_hot(...).float()
    probs = jax.nn.one_hot(sampled_tokens, num_classes, dtype=jnp.float32)
    return (sampled_tokens, probs)

if __name__ == "__main__":
    import jax
    _d = setup_inputs()
    print(jax.jit(kernel)(*tuple(_d.values())))

</pallas_src>

<mosaic_0001>
#map = affine_map<(d0, d1) -> (0)>
module attributes {stable_mosaic.version = 14 : i64} {
  func.func @_scatter_ones(%arg0: i32, %arg1: i32, %arg2: memref<64xi32, #tpu.memory_space<hbm>>, %arg3: memref<64000000xf32, #tpu.memory_space<hbm>>, %arg4: memref<64xi32, #tpu.memory_space<hbm>>, %arg5: memref<64xi32, #tpu.memory_space<vmem>>, %arg6: memref<64xi32, #tpu.memory_space<vmem>>, %arg7: memref<64xf32, #tpu.memory_space<vmem>>, %arg8: memref<!tpu.dma_semaphore, #tpu.memory_space<semaphore_mem>>) attributes {dimension_semantics = [#tpu.dimension_semantics<core_parallel>, #tpu.dimension_semantics<subcore_parallel>], iteration_bounds = array<i64: 2, 16>, scalar_prefetch = 0 : i64, scratch_operands = 4 : i64, tpu.core_type = #tpu.core_type<sc_vector_subcore>, window_params = [{transform_indices = #map}, {transform_indices = #map}, {transform_indices = #map}]} {
    %eq3A = arith.constant 0 : i32
    %eq3A_0 = arith.cmpi eq, %arg0, %eq3A : i32
    %eq3A_1 = arith.constant 0 : i32
    %eq3A_2 = arith.cmpi eq, %arg1, %eq3A_1 : i32
    %and3A = arith.andi %eq3A_0, %eq3A_2 : i1
    %convert_element_type3A = arith.extui %and3A : i1 to i32
    %cond3A = arith.constant 0 : i32
    %cond3A_3 = arith.cmpi ne, %convert_element_type3A, %cond3A : i32
    scf.if %cond3A_3 {
      "tpu.region"() ({
        %run_scoped3A = tpu.sem_alloc : memref<!tpu.dma_semaphore, #tpu.memory_space<semaphore_mem>>
        tpu.enqueue_dma source(%arg2 : memref<64xi32, #tpu.memory_space<hbm>>) target(%arg5 : memref<64xi32, #tpu.memory_space<vmem>>) target_semaphore(%run_scoped3A : memref<!tpu.dma_semaphore, #tpu.memory_space<semaphore_mem>>)
        tpu.wait_dma2 semaphore(%run_scoped3A : memref<!tpu.dma_semaphore, #tpu.memory_space<semaphore_mem>>) src(%arg2 : memref<64xi32, #tpu.memory_space<hbm>>) dst(%arg5 : memref<64xi32, #tpu.memory_space<vmem>>)
        tpu.yield
      }) : () -> ()
      %get3A = arith.constant 0 : index
      %get3A_4 = tpu.vector_load %arg5[%get3A] {strides = array<i32>} : memref<64xi32, #tpu.memory_space<vmem>>, vector<16xi32>,
      %get3A_5 = vector.shape_cast %get3A_4 : vector<16xi32> to vector<16xi32>
      %iota3A = tpu.iota {dimensions = array<i32: 0>} : vector<16xi32>
      %add3A = arith.constant 0 : i32
      %add3A_6 = vector.broadcast %add3A : i32 to vector<16xi32>
      %add3A_7 = arith.addi %iota3A, %add3A_6 : vector<16xi32>
      %mul3A = arith.constant 1000000 : i32
      %mul3A_8 = vector.broadcast %mul3A : i32 to vector<16xi32>
      %mul3A_9 = arith.muli %add3A_7, %mul3A_8 : vector<16xi32>
      %add3A_10 = arith.addi %mul3A_9, %get3A_5 : vector<16xi32>
      %swap3A = arith.constant 0 : index
      %swap3A_11 = tpu.vector_load %arg6[%swap3A] {strides = array<i32>} : memref<64xi32, #tpu.memory_space<vmem>>, vector<16xi32>,
      %swap3A_12 = vector.shape_cast %swap3A_11 : vector<16xi32> to vector<16xi32>
      %swap3A_13 = vector.shape_cast %add3A_10 : vector<16xi32> to vector<16xi32>
      tpu.vector_store %arg6[%swap3A], %swap3A_13 {strides = array<i32>} : memref<64xi32, #tpu.memory_space<vmem>>, vector<16xi32>,
      %broadcast_in_dim3A = arith.constant 1.000000e+00 : f32
      %broadcast_in_dim3A_14 = vector.broadcast %broadcast_in_dim3A : f32 to vector<16xf32>
      %swap3A_15 = arith.constant 0 : index
      %swap3A_16 = tpu.vector_load %arg7[%swap3A_15] {strides = array<i32>} : memref<64xf32, #tpu.memory_space<vmem>>, vector<16xf32>,
      %swap3A_17 = vector.shape_cast %swap3A_16 : vector<16xf32> to vector<16xf32>
      %swap3A_18 = vector.shape_cast %broadcast_in_dim3A_14 : vector<16xf32> to vector<16xf32>
      tpu.vector_store %arg7[%swap3A_15], %swap3A_18 {strides = array<i32>} : memref<64xf32, #tpu.memory_space<vmem>>, vector<16xf32>,
      %get3A_19 = arith.constant 16 : index
      %get3A_20 = tpu.vector_load %arg5[%get3A_19] {strides = array<i32>} : memref<64xi32, #tpu.memory_space<vmem>>, vector<16xi32>,
      %get3A_21 = vector.shape_cast %get3A_20 : vector<16xi32> to vector<16xi32>
      %iota3A_22 = tpu.iota {dimensions = array<i32: 0>} : vector<16xi32>
      %add3A_23 = arith.constant 16 : i32
      %add3A_24 = vector.broadcast %add3A_23 : i32 to vector<16xi32>
      %add3A_25 = arith.addi %iota3A_22, %add3A_24 : vector<16xi32>
      %mul3A_26 = arith.constant 1000000 : i32
      %mul3A_27 = vector.broadcast %mul3A_26 : i32 to vector<16xi32>
      %mul3A_28 = arith.muli %add3A_25, %mul3A_27 : vector<16xi32>
      %add3A_29 = arith.addi %mul3A_28, %get3A_21 : vector<16xi32>
      %swap3A_30 = arith.constant 16 : index
      %swap3A_31 = tpu.vector_load %arg6[%swap3A_30] {strides = array<i32>} : memref<64xi32, #tpu.memory_space<vmem>>, vector<16xi32>,
      %swap3A_32 = vector.shape_cast %swap3A_31 : vector<16xi32> to vector<16xi32>
      %swap3A_33 = vector.shape_cast %add3A_29 : vector<16xi32> to vector<16xi32>
      tpu.vector_store %arg6[%swap3A_30], %swap3A_33 {strides = array<i32>} : memref<64xi32, #tpu.memory_space<vmem>>, vector<16xi32>,
      %broadcast_in_dim3A_34 = arith.constant 1.000000e+00 : f32
      %broadcast_in_dim3A_35 = vector.broadcast %broadcast_in_dim3A_34 : f32 to vector<16xf32>
      %swap3A_36 = arith.constant 16 : index
      %swap3A_37 = tpu.vector_load %arg7[%swap3A_36] {strides = array<i32>} : memref<64xf32, #tpu.memory_space<vmem>>, vector<16xf32>,
      %swap3A_38 = vector.shape_cast %swap3A_37 : vector<16xf32> to vector<16xf32>
      %swap3A_39 = vector.shape_cast %broadcast_in_dim3A_35 : vector<16xf32> to vector<16xf32>
      tpu.vector_store %arg7[%swap3A_36], %swap3A_39 {strides = array<i32>} : memref<64xf32, #tpu.memory_space<vmem>>, vector<16xf32>,
      %get3A_40 = arith.constant 32 : index
      %get3A_41 = tpu.vector_load %arg5[%get3A_40] {strides = array<i32>} : memref<64xi32, #tpu.memory_space<vmem>>, vector<16xi32>,
      %get3A_42 = vector.shape_cast %get3A_41 : vector<16xi32> to vector<16xi32>
      %iota3A_43 = tpu.iota {dimensions = array<i32: 0>} : vector<16xi32>
      %add3A_44 = arith.constant 32 : i32
      %add3A_45 = vector.broadcast %add3A_44 : i32 to vector<16xi32>
      %add3A_46 = arith.addi %iota3A_43, %add3A_45 : vector<16xi32>
      %mul3A_47 = arith.constant 1000000 : i32
      %mul3A_48 = vector.broadcast %mul3A_47 : i32 to vector<16xi32>
      %mul3A_49 = arith.muli %add3A_46, %mul3A_48 : vector<16xi32>
      %add3A_50 = arith.addi %mul3A_49, %get3A_42 : vector<16xi32>
      %swap3A_51 = arith.constant 32 : index
      %swap3A_52 = tpu.vector_load %arg6[%swap3A_51] {strides = array<i32>} : memref<64xi32, #tpu.memory_space<vmem>>, vector<16xi32>,
      %swap3A_53 = vector.shape_cast %swap3A_52 : vector<16xi32> to vector<16xi32>
      %swap3A_54 = vector.shape_cast %add3A_50 : vector<16xi32> to vector<16xi32>
      tpu.vector_store %arg6[%swap3A_51], %swap3A_54 {strides = array<i32>} : memref<64xi32, #tpu.memory_space<vmem>>, vector<16xi32>,
      %broadcast_in_dim3A_55 = arith.constant 1.000000e+00 : f32
      %broadcast_in_dim3A_56 = vector.broadcast %broadcast_in_dim3A_55 : f32 to vector<16xf32>
      %swap3A_57 = arith.constant 32 : index
      %swap3A_58 = tpu.vector_load %arg7[%swap3A_57] {strides = array<i32>} : memref<64xf32, #tpu.memory_space<vmem>>, vector<16xf32>,
      %swap3A_59 = vector.shape_cast %swap3A_58 : vector<16xf32> to vector<16xf32>
      %swap3A_60 = vector.shape_cast %broadcast_in_dim3A_56 : vector<16xf32> to vector<16xf32>
      tpu.vector_store %arg7[%swap3A_57], %swap3A_60 {strides = array<i32>} : memref<64xf32, #tpu.memory_space<vmem>>, vector<16xf32>,
      %get3A_61 = arith.constant 48 : index
      %get3A_62 = tpu.vector_load %arg5[%get3A_61] {strides = array<i32>} : memref<64xi32, #tpu.memory_space<vmem>>, vector<16xi32>,
      %get3A_63 = vector.shape_cast %get3A_62 : vector<16xi32> to vector<16xi32>
      %iota3A_64 = tpu.iota {dimensions = array<i32: 0>} : vector<16xi32>
      %add3A_65 = arith.constant 48 : i32
      %add3A_66 = vector.broadcast %add3A_65 : i32 to vector<16xi32>
      %add3A_67 = arith.addi %iota3A_64, %add3A_66 : vector<16xi32>
      %mul3A_68 = arith.constant 1000000 : i32
      %mul3A_69 = vector.broadcast %mul3A_68 : i32 to vector<16xi32>
      %mul3A_70 = arith.muli %add3A_67, %mul3A_69 : vector<16xi32>
      %add3A_71 = arith.addi %mul3A_70, %get3A_63 : vector<16xi32>
      %swap3A_72 = arith.constant 48 : index
      %swap3A_73 = tpu.vector_load %arg6[%swap3A_72] {strides = array<i32>} : memref<64xi32, #tpu.memory_space<vmem>>, vector<16xi32>,
      %swap3A_74 = vector.shape_cast %swap3A_73 : vector<16xi32> to vector<16xi32>
      %swap3A_75 = vector.shape_cast %add3A_71 : vector<16xi32> to vector<16xi32>
      tpu.vector_store %arg6[%swap3A_72], %swap3A_75 {strides = array<i32>} : memref<64xi32, #tpu.memory_space<vmem>>, vector<16xi32>,
      %broadcast_in_dim3A_76 = arith.constant 1.000000e+00 : f32
      %broadcast_in_dim3A_77 = vector.broadcast %broadcast_in_dim3A_76 : f32 to vector<16xf32>
      %swap3A_78 = arith.constant 48 : index
      %swap3A_79 = tpu.vector_load %arg7[%swap3A_78] {strides = array<i32>} : memref<64xf32, #tpu.memory_space<vmem>>, vector<16xf32>,
      %swap3A_80 = vector.shape_cast %swap3A_79 : vector<16xf32> to vector<16xf32>
      %swap3A_81 = vector.shape_cast %broadcast_in_dim3A_77 : vector<16xf32> to vector<16xf32>
      tpu.vector_store %arg7[%swap3A_78], %swap3A_81 {strides = array<i32>} : memref<64xf32, #tpu.memory_space<vmem>>, vector<16xf32>,
      %dma_start3A = arith.constant 0 : i32
      %dma_start3A_82 = tpu.memref_slice %arg3[%dma_start3A] : memref<64000000xf32, #tpu.memory_space<hbm>> -> memref<64000000xf32, #tpu.memory_space<hbm>>
      tpu.enqueue_indirect_dma source(%arg7 : memref<64xf32, #tpu.memory_space<vmem>>) target(%dma_start3A_82 : memref<64000000xf32, #tpu.memory_space<hbm>>) offsets(%arg6 : memref<64xi32, #tpu.memory_space<vmem>>) semaphore(%arg8 : memref<!tpu.dma_semaphore, #tpu.memory_space<semaphore_mem>>)
      %dma_wait3A = arith.constant 0 : i32
      %dma_wait3A_83 = tpu.memref_slice %arg3[%dma_wait3A] : memref<64000000xf32, #tpu.memory_space<hbm>> -> memref<64000000xf32, #tpu.memory_space<hbm>>
      tpu.wait_indirect_dma semaphore(%arg8 : memref<!tpu.dma_semaphore, #tpu.memory_space<semaphore_mem>>) src(%arg7 : memref<64xf32, #tpu.memory_space<vmem>>) dst(%dma_wait3A_83 : memref<64000000xf32, #tpu.memory_space<hbm>>)
      "tpu.region"() ({
        %run_scoped3A = tpu.sem_alloc : memref<!tpu.dma_semaphore, #tpu.memory_space<semaphore_mem>>
        tpu.enqueue_dma source(%arg5 : memref<64xi32, #tpu.memory_space<vmem>>) target(%arg4 : memref<64xi32, #tpu.memory_space<hbm>>) target_semaphore(%run_scoped3A : memref<!tpu.dma_semaphore, #tpu.memory_space<semaphore_mem>>)
        tpu.wait_dma2 semaphore(%run_scoped3A : memref<!tpu.dma_semaphore, #tpu.memory_space<semaphore_mem>>) src(%arg5 : memref<64xi32, #tpu.memory_space<vmem>>) dst(%arg4 : memref<64xi32, #tpu.memory_space<hbm>>)
        tpu.yield
      }) : () -> ()
    } else {
    }
    return
  }
}

module attributes {stable_mosaic.version = 14 : i64} {
  func.func @_fused_body(%arg0: i32, %arg1: memref<64x8192xf32, #tpu.memory_space<vmem>>, %arg2: memref<64x1xi32, #tpu.memory_space<vmem>>, %arg3: memref<64x8192xf32, #tpu.memory_space<vmem>>, %arg4: memref<64x1xf32, #tpu.memory_space<vmem>>, %arg5: memref<64x1xi32, #tpu.memory_space<vmem>>) attributes {dimension_semantics = [#tpu.dimension_semantics<arbitrary>], iteration_bounds = array<i64: 123>, scalar_prefetch = 0 : i64, scratch_operands = 2 : i64, tpu.core_type = #tpu.core_type<tc>, window_params = [{transform_indices = @transform_0, window_bounds = array<i64: 64, 8192>}, {pipeline_mode = #tpu.pipeline_mode<synchronous>, transform_indices = @transform_1, window_bounds = array<i64: 64, 1>}, {transform_indices = @transform_2, window_bounds = array<i64: 64, 8192>}]} {
    %get3A = arith.constant 0 : index
    %get3A_0 = arith.constant 0 : index
    %get3A_1 = vector.load %arg1[%get3A, %get3A_0] : memref<64x8192xf32, #tpu.memory_space<vmem>>, vector<64x8192xf32>
    %eq3A = arith.constant 0 : i32
    %eq3A_2 = arith.cmpi eq, %arg0, %eq3A : i32
    %convert_element_type3A = arith.extui %eq3A_2 : i1 to i32
    %cond3A = arith.constant 0 : i32
    %cond3A_3 = arith.cmpi ne, %convert_element_type3A, %cond3A : i32
    scf.if %cond3A_3 {
      %broadcast_in_dim3A_32 = arith.constant 0xFF800000 : f32
      %broadcast_in_dim3A_33 = vector.broadcast %broadcast_in_dim3A_32 : f32 to vector<64x1xf32>
      %swap3A_34 = arith.constant 0 : index
      %swap3A_35 = arith.constant 0 : index
      %swap3A_36 = vector.load %arg4[%swap3A_34, %swap3A_35] : memref<64x1xf32, #tpu.memory_space<vmem>>, vector<64x1xf32>
      tpu.vector_store %arg4[%swap3A_34, %swap3A_35], %broadcast_in_dim3A_33 {strides = array<i32>} : memref<64x1xf32, #tpu.memory_space<vmem>>, vector<64x1xf32>,
      %broadcast_in_dim3A_37 = arith.constant 0 : i32
      %broadcast_in_dim3A_38 = vector.broadcast %broadcast_in_dim3A_37 : i32 to vector<64x1xi32>
      %swap3A_39 = arith.constant 0 : index
      %swap3A_40 = arith.constant 0 : index
      %swap3A_41 = vector.load %arg5[%swap3A_39, %swap3A_40] : memref<64x1xi32, #tpu.memory_space<vmem>>, vector<64x1xi32>
      tpu.vector_store %arg5[%swap3A_39, %swap3A_40], %broadcast_in_dim3A_38 {strides = array<i32>} : memref<64x1xi32, #tpu.memory_space<vmem>>, vector<64x1xi32>,
    } else {
    }
    %broadcast_in_dim3A = arith.constant 0.000000e+00 : f32
    %broadcast_in_dim3A_4 = vector.broadcast %broadcast_in_dim3A : f32 to vector<64x8192xf32>
    %swap3A = arith.constant 0 : index
    %swap3A_5 = arith.constant 0 : index
    %swap3A_6 = vector.load %arg3[%swap3A, %swap3A_5] : memref<64x8192xf32, #tpu.memory_space<vmem>>, vector<64x8192xf32>
    tpu.vector_store %arg3[%swap3A, %swap3A_5], %broadcast_in_dim3A_4 {strides = array<i32>} : memref<64x8192xf32, #tpu.memory_space<vmem>>, vector<64x8192xf32>,
    %reduce_max3A = arith.constant dense<0xFF800000> : vector<64xf32>
    %reduce_max3A_7 = vector.multi_reduction <maximumf>, %get3A_1, %reduce_max3A [1] : vector<64x8192xf32> to vector<64xf32>
    %broadcast_in_dim3A_8 = vector.shape_cast %reduce_max3A_7 : vector<64xf32> to vector<64x1xf32>
    %lt3A = arith.constant 122 : i32
    %lt3A_9 = arith.cmpi slt, %arg0, %lt3A : i32
    %get3A_10 = arith.constant 0 : index
    %get3A_11 = arith.constant 0 : index
    %get3A_12 = vector.load %arg4[%get3A_10, %get3A_11] : memref<64x1xf32, #tpu.memory_space<vmem>>, vector<64x1xf32>
    %gt3A = arith.cmpf ogt, %broadcast_in_dim3A_8, %get3A_12 : vector<64x1xf32>
    %reduce_or3A = arith.constant 1.000000e+00 : f32
    %reduce_or3A_13 = arith.constant 0.000000e+00 : f32
    %reduce_or3A_14 = vector.broadcast %reduce_or3A : f32 to vector<64x1xf32>
    %reduce_or3A_15 = vector.broadcast %reduce_or3A_13 : f32 to vector<64x1xf32>
    %reduce_or3A_16 = arith.select %gt3A, %reduce_or3A_14, %reduce_or3A_15 : vector<64x1xi1>, vector<64x1xf32>
    %reduce_or3A_17 = vector.shape_cast %reduce_or3A_16 : vector<64x1xf32> to vector<1x64x1xf32>
    %reduce_or3A_18 = arith.constant dense<0xFF800000> : vector<1xf32>
    %reduce_or3A_19 = vector.multi_reduction <maximumf>, %reduce_or3A_17, %reduce_or3A_18 [1, 2] : vector<1x64x1xf32> to vector<1xf32>
    %reduce_or3A_20 = vector.shape_cast %reduce_or3A_19 : vector<1xf32> to vector<1x1x1xf32>
    %reduce_or3A_21 = vector.extract %reduce_or3A_20[0, 0, 0] : f32 from vector<1x1x1xf32>
    %reduce_or3A_22 = arith.constant 0.000000e+00 : f32
    %reduce_or3A_23 = arith.cmpf ogt, %reduce_or3A_21, %reduce_or3A_22 : f32
    %and3A = arith.andi %lt3A_9, %reduce_or3A_23 : i1
    %convert_element_type3A_24 = arith.extui %and3A : i1 to i32
    %cond3A_25 = arith.constant 0 : i32
    %cond3A_26 = arith.cmpi ne, %convert_element_type3A_24, %cond3A_25 : i32
    scf.if %cond3A_26 {
      %get3A_32 = arith.constant 0 : index
      %get3A_33 = arith.constant 0 : index
      %get3A_34 = vector.load %arg4[%get3A_32, %get3A_33] : memref<64x1xf32, #tpu.memory_space<vmem>>, vector<64x1xf32>
      %gt3A_35 = arith.cmpf ogt, %broadcast_in_dim3A_8, %get3A_34 : vector<64x1xf32>
      %iota3A = tpu.iota {dimensions = array<i32: 1>} : vector<64x8192xi32>
      %mul3A = arith.constant 8192 : i32
      %mul3A_36 = arith.muli %arg0, %mul3A : i32
      %add3A = vector.broadcast %mul3A_36 : i32 to vector<64x8192xi32>
      %add3A_37 = arith.addi %iota3A, %add3A : vector<64x8192xi32>
      %eq3A_38 = vector.broadcast %broadcast_in_dim3A_8 : vector<64x1xf32> to vector<64x8192xf32>
      %eq3A_39 = arith.cmpf oeq, %get3A_1, %eq3A_38 : vector<64x8192xf32>
      %jit3A = arith.constant 2147483647 : i32
      %broadcast_in_dim3A_40 = vector.broadcast %jit3A : i32 to vector<64x8192xi32>
      %select_n3A = arith.select %eq3A_39, %add3A_37, %broadcast_in_dim3A_40 : vector<64x8192xi1>, vector<64x8192xi32>
      %reduce_min3A = arith.constant dense<2147483647> : vector<64xi32>
      %reduce_min3A_41 = vector.multi_reduction <minsi>, %select_n3A, %reduce_min3A [1] : vector<64x8192xi32> to vector<64xi32>
      %broadcast_in_dim3A_42 = vector.shape_cast %reduce_min3A_41 : vector<64xi32> to vector<64x1xi32>
      %get3A_43 = arith.constant 0 : index
      %get3A_44 = arith.constant 0 : index
      %get3A_45 = vector.load %arg5[%get3A_43, %get3A_44] : memref<64x1xi32, #tpu.memory_space<vmem>>, vector<64x1xi32>
      %select_n3A_46 = arith.select %gt3A_35, %broadcast_in_dim3A_42, %get3A_45 : vector<64x1xi1>, vector<64x1xi32>
      %swap3A_47 = arith.constant 0 : index
      %swap3A_48 = arith.constant 0 : index
      %swap3A_49 = vector.load %arg5[%swap3A_47, %swap3A_48] : memref<64x1xi32, #tpu.memory_space<vmem>>, vector<64x1xi32>
      tpu.vector_store %arg5[%swap3A_47, %swap3A_48], %select_n3A_46 {strides = array<i32>} : memref<64x1xi32, #tpu.memory_space<vmem>>, vector<64x1xi32>,
      %get3A_50 = arith.constant 0 : index
      %get3A_51 = arith.constant 0 : index
      %get3A_52 = vector.load %arg4[%get3A_50, %get3A_51] : memref<64x1xf32, #tpu.memory_space<vmem>>, vector<64x1xf32>
      %select_n3A_53 = arith.select %gt3A_35, %broadcast_in_dim3A_8, %get3A_52 : vector<64x1xi1>, vector<64x1xf32>
      %swap3A_54 = arith.constant 0 : index
      %swap3A_55 = arith.constant 0 : index
      %swap3A_56 = vector.load %arg4[%swap3A_54, %swap3A_55] : memref<64x1xf32, #tpu.memory_space<vmem>>, vector<64x1xf32>
      tpu.vector_store %arg4[%swap3A_54, %swap3A_55], %select_n3A_53 {strides = array<i32>} : memref<64x1xf32, #tpu.memory_space<vmem>>, vector<64x1xf32>,
    } else {
    }
    %eq3A_27 = arith.constant 122 : i32
    %eq3A_28 = arith.cmpi eq, %arg0, %eq3A_27 : i32
    %convert_element_type3A_29 = arith.extui %eq3A_28 : i1 to i32
    %cond3A_30 = arith.constant 0 : i32
    %cond3A_31 = arith.cmpi ne, %convert_element_type3A_29, %cond3A_30 : i32
    scf.if %cond3A_31 {
      %iota3A = tpu.iota {dimensions = array<i32: 1>} : vector<64x8192xi32>
      %mul3A = arith.constant 8192 : i32
      %mul3A_32 = arith.muli %arg0, %mul3A : i32
      %add3A = vector.broadcast %mul3A_32 : i32 to vector<64x8192xi32>
      %add3A_33 = arith.addi %iota3A, %add3A : vector<64x8192xi32>
      %lt3A_34 = arith.constant 1000000 : i32
      %lt3A_35 = vector.broadcast %lt3A_34 : i32 to vector<64x8192xi32>
      %lt3A_36 = arith.cmpi slt, %add3A_33, %lt3A_35 : vector<64x8192xi32>
      %jit3A = arith.constant 0xFF800000 : f32
      %broadcast_in_dim3A_37 = vector.broadcast %jit3A : f32 to vector<64x8192xf32>
      %select_n3A = arith.select %lt3A_36, %get3A_1, %broadcast_in_dim3A_37 : vector<64x8192xi1>, vector<64x8192xf32>
      %reduce_max3A_38 = arith.constant dense<0xFF800000> : vector<64xf32>
      %reduce_max3A_39 = vector.multi_reduction <maximumf>, %select_n3A, %reduce_max3A_38 [1] : vector<64x8192xf32> to vector<64xf32>
      %broadcast_in_dim3A_40 = vector.shape_cast %reduce_max3A_39 : vector<64xf32> to vector<64x1xf32>
      %get3A_41 = arith.constant 0 : index
      %get3A_42 = arith.constant 0 : index
      %get3A_43 = vector.load %arg4[%get3A_41, %get3A_42] : memref<64x1xf32, #tpu.memory_space<vmem>>, vector<64x1xf32>
      %gt3A_44 = arith.cmpf ogt, %broadcast_in_dim3A_40, %get3A_43 : vector<64x1xf32>
      %eq3A_45 = vector.broadcast %broadcast_in_dim3A_40 : vector<64x1xf32> to vector<64x8192xf32>
      %eq3A_46 = arith.cmpf oeq, %select_n3A, %eq3A_45 : vector<64x8192xf32>
      %jit3A_47 = arith.constant 2147483647 : i32
      %broadcast_in_dim3A_48 = vector.broadcast %jit3A_47 : i32 to vector<64x8192xi32>
      %select_n3A_49 = arith.select %eq3A_46, %add3A_33, %broadcast_in_dim3A_48 : vector<64x8192xi1>, vector<64x8192xi32>
      %reduce_min3A = arith.constant dense<2147483647> : vector<64xi32>
      %reduce_min3A_50 = vector.multi_reduction <minsi>, %select_n3A_49, %reduce_min3A [1] : vector<64x8192xi32> to vector<64xi32>
      %broadcast_in_dim3A_51 = vector.shape_cast %reduce_min3A_50 : vector<64xi32> to vector<64x1xi32>
      %get3A_52 = arith.constant 0 : index
      %get3A_53 = arith.constant 0 : index
      %get3A_54 = vector.load %arg5[%get3A_52, %get3A_53] : memref<64x1xi32, #tpu.memory_space<vmem>>, vector<64x1xi32>
      %select_n3A_55 = arith.select %gt3A_44, %broadcast_in_dim3A_51, %get3A_54 : vector<64x1xi1>, vector<64x1xi32>
      %swap3A_56 = arith.constant 0 : index
      %swap3A_57 = arith.constant 0 : index
      %swap3A_58 = vector.load %arg5[%swap3A_56, %swap3A_57] : memref<64x1xi32, #tpu.memory_space<vmem>>, vector<64x1xi32>
      tpu.vector_store %arg5[%swap3A_56, %swap3A_57], %select_n3A_55 {strides = array<i32>} : memref<64x1xi32, #tpu.memory_space<vmem>>, vector<64x1xi32>,
      %get3A_59 = arith.constant 0 : index
      %get3A_60 = arith.constant 0 : index
      %get3A_61 = vector.load %arg5[%get3A_59, %get3A_60] : memref<64x1xi32, #tpu.memory_space<vmem>>, vector<64x1xi32>
      %swap3A_62 = arith.constant 0 : index
      %swap3A_63 = arith.constant 0 : index
      %swap3A_64 = vector.load %arg2[%swap3A_62, %swap3A_63] : memref<64x1xi32, #tpu.memory_space<vmem>>, vector<64x1xi32>
      tpu.vector_store %arg2[%swap3A_62, %swap3A_63], %get3A_61 {strides = array<i32>} : memref<64x1xi32, #tpu.memory_space<vmem>>, vector<64x1xi32>,
    } else {
    }
    return
  }
  func.func @transform_0(%arg0: i32) -> (i32, i32) {
    %c0_i32 = arith.constant 0 : i32
    %c0_i32_0 = arith.constant 0 : i32
    return %c0_i32, %arg0 : i32, i32
  }
  func.func @transform_1(%arg0: i32) -> (i32, i32) {
    %c0_i32 = arith.constant 0 : i32
    %c0_i32_0 = arith.constant 0 : i32
    %c0_i32_1 = arith.constant 0 : i32
    return %c0_i32, %c0_i32_0 : i32, i32
  }
  func.func @transform_2(%arg0: i32) -> (i32, i32) {
    %c0_i32 = arith.constant 0 : i32
    %c0_i32_0 = arith.constant 0 : i32
    return %c0_i32, %arg0 : i32, i32
  }
}

</mosaic_0001>

<sc_bundles>
// kernel: kernel.4.cloned.1.call-start
scs
__scs_entry_jumppad:
0x0: {  	(pc) =	sbr.rel $0x88, $3  }
0x1: {  	(tag) =	ssettag $0x0;
	lr =	simm.s32 $0x1  }
0x2: {  	[smem:$0x3FA0] =	sst lr;
	_ =	strace $0xD0000000  }
0x3: {  	_ = 	snop  }
0x4: {  	_ = 	snop  }
0x5: {  	_ = 	snop  }
0x6: {  	_ = 	snop  }
0x7: {  	_ = 	snop  }
__scs_overlays_trampoline_lowered:
0x8: {  	[smem:$0x3FAF] =	sst s0  }
0x9: {  	[smem:$0x3FB0] =	sst s1  }
0xa: {  	[smem:$0x3FB1] =	sst s2  }
0xb: {  	[smem:$0x3FB2] =	sst s3  }
0xc: {  	[smem:$0x3FB3] =	sst s4  }
0xd: {  	[smem:$0x3FB4] =	sst s5  }
0xe: {  	[smem:$0x3FB5] =	sst s6  }
0xf: {  	[smem:$0x3FB6] =	sst s7  }
0x10: {  	[smem:$0x3FB7] =	sst s8  }
0x11: {  	[smem:$0x3FB8] =	sst s9;
	s0 =	simm.s32 @!p0 $0x0  }
0x12: {  	s1 =	sld [smem:$0x3F9E];
	s0 =	simm.s32 @p0 $0x1  }
0x13: {  	[smem:$0x3FB9] =	sst s0;
	s0 =	simm.s32 @!p1 $0x0  }
0x14: {  	s2 =	sld [smem:$0x3F9D];
	s0 =	simm.s32 @p1 $0x1  }
0x15: {  	[smem:$0x3FBA] =	sst s0;
	s0 =	simm.s32 @!p2 $0x0  }
0x16: {  	s3 =	sld [smem:$0x3FDB];
	s0 =	simm.s32 @p2 $0x1  }
0x17: {  	s4 =	simm.s32 $0x1BF5;
	[smem:$0x3FBC] =	sst s0  }
0x18: {  	s0 =	sld [smem:$0x3F9F];
	_ =	swait.ge [sflag:s4], $0x0  }
0x19: {  	s7 =	sld [smem:$0x3FA0]  }
0x1a: {  	s8 =	sadd.s32 $0xFFFFE003, lr  }
0x1b: {  	s9 =	sadd.s32 $0xFFFFFEF7, lr;
	s5 =	simm.s32 $0xFFFFFFFF;
	p2 =	slt.u32 s8, $0xFFFFF086  }
0x1c: {  	p1 =	slt.u32 s9, $0xF7A;
	s5 =	simm.s32 @!p2 $0x0  }
0x1d: {  	s5 =	simm.s32 @p1 $0x1;
	p0 =	seq.s32 s7, s2  }
0x1e: {  	s7 =	smul.u32 @!p0 $0xF7A, s2;
	p2 =	seq.s32 @!p0 s5, $0x0  }
0x1f: {  	s9 =	smul.u32 $0xF7A, s1;
	s8 =	simm.s32 @!p0 $0x1BF5;
	p2 =	por !p2, p0  }
0x20: {  	[sflag:s8] =	ssyncset.s32 @!p0 $0xFFFFF086;
	s6 =	sadd.s32 @!p0 s3, s7;
	s7 =	simm.s32 @!p0 $0x108  }
0x21: {  	s3 =	sadd.s32 s3, s9;
	s6 =	sadd.s32 @!p0 $0x88, s6;
	s7 =	simm.s32 @p2 $0x1082  }
0x22: {  	[simem:s7], [sflag:s8] =	dma.local @!p0 [hbm:s6], $0xF7A  }
0x23: {  	s9 =	sor.u32 $0xD0000000, s2;
	s6 =	simm.s32 $0x108;
	_ =	swait.ge @!p0 [sflag:s8], $0x0  }
0x24: {  	s3 =	sadd.s32 $0x88, s3;
	s6 =	simm.s32 @!p1 $0x1082;
	[sflag:s4] =	ssyncset.s32 $0xFFFFF086  }
0x25: {  	[simem:s6], [sflag:s4] =	dma.local [hbm:s3], $0xF7A  }
0x26: {  	[smem:$0x3FA0] =	sst s1;
	(tag) =	ssettag s2;
	_ =	strace s9  }
0x27: {  	s1 =	sld [smem:$0x3FB0]  }
0x28: {  	s2 =	sld [smem:$0x3FB1]  }
0x29: {  	s4 =	sld [smem:$0x3FB3]  }
0x2a: {  	p0 =	seq.s32 s5, $0x0;
	s5 =	sld [smem:$0x3FB4]  }
0x2b: {  	s6 =	sld [smem:$0x3FB5]  }
0x2c: {  	s7 =	sld [smem:$0x3FB6]  }
0x2d: {  	s3 =	simm.s32 $0x108;
	s8 =	sld [smem:$0x3FB7]  }
0x2e: {  	s3 =	simm.s32 @!p0 $0x1082;
	s9 =	sld [smem:$0x3FB8]  }
0x2f: {  	lr =	sadd.s32 s0, s3;
	s0 =	sld [smem:$0x3FAF]  }
0x30: {  	s3 =	sld [smem:$0x3FB2]  }
0x31: {  	[smem:$0x3FBB] =	sst s10  }
0x32: {  	s10 =	sld [smem:$0x3FB9];
	_ =	sdelay $0x3  }
0x33: {  	p0 =	seq.s32 s10, $0x1;
	s10 =	sld [smem:$0x3FBB];
	_ =	sdelay $0x3  }
0x34: {  	[smem:$0x3FBB] =	sst s10  }
0x35: {  	s10 =	sld [smem:$0x3FBA];
	_ =	sdelay $0x3  }
0x36: {  	p1 =	seq.s32 s10, $0x1;
	s10 =	sld [smem:$0x3FBB];
	_ =	sdelay $0x3  }
0x37: {  	[smem:$0x3FBB] =	sst s10  }
0x38: {  	s10 =	sld [smem:$0x3FBC]  }
0x39: {  	_ = 	snop;
	(pc) =	sbr.ind lr, $3  }
0x3a: {  	_ = 	snop  }
0x3b: {  	_ = 	snop  }
0x3c: {  	p2 =	seq.s32 s10, $0x1;
	s10 =	sld [smem:$0x3FBB]  }
0x3d: {  	_ =	shalt  }
0x3e: {  	_ =	shalt  }
0x3f: {  	_ =	shalt  }
0x40: {  	_ =	shalt  }
0x41: {  	_ =	shalt  }
0x42: {  	_ =	shalt  }
0x43: {  	_ =	shalt  }
0x44: {  	_ =	shalt  }
0x45: {  	_ =	shalt  }
0x46: {  	_ =	shalt  }
0x47: {  	_ =	shalt  }
0x48: {  	_ =	shalt  }
0x49: {  	_ =	shalt  }
0x4a: {  	_ =	shalt  }
0x4b: {  	_ =	shalt  }
0x4c: {  	_ =	shalt  }
0x4d: {  	_ =	shalt  }
0x4e: {  	_ =	shalt  }
0x4f: {  	_ =	shalt  }
0x50: {  	_ =	shalt  }
0x51: {  	_ =	shalt  }
0x52: {  	_ =	shalt  }
0x53: {  	_ =	shalt  }
0x54: {  	_ =	shalt  }
0x55: {  	_ =	shalt  }
0x56: {  	_ =	shalt  }
0x57: {  	_ =	shalt  }
0x58: {  	_ =	shalt  }
0x59: {  	_ =	shalt  }
0x5a: {  	_ =	shalt  }
0x5b: {  	_ =	shalt  }
0x5c: {  	_ =	shalt  }
0x5d: {  	_ =	shalt  }
0x5e: {  	_ =	shalt  }
0x5f: {  	_ =	shalt  }
0x60: {  	_ =	shalt  }
0x61: {  	_ =	shalt  }
0x62: {  	_ =	shalt  }
0x63: {  	_ =	shalt  }
0x64: {  	_ =	shalt  }
0x65: {  	_ =	shalt  }
0x66: {  	_ =	shalt  }
0x67: {  	_ =	shalt  }
0x68: {  	_ =	shalt  }
0x69: {  	_ =	shalt  }
0x6a: {  	_ =	shalt  }
0x6b: {  	_ =	shalt  }
0x6c: {  	_ =	shalt  }
0x6d: {  	_ =	shalt  }
0x6e: {  	_ =	shalt  }
0x6f: {  	_ =	shalt  }
0x70: {  	_ =	shalt  }
0x71: {  	_ =	shalt  }
0x72: {  	_ =	shalt  }
0x73: {  	_ =	shalt  }
0x74: {  	_ =	shalt  }
0x75: {  	_ =	shalt  }
0x76: {  	_ =	shalt  }
0x77: {  	_ =	shalt  }
0x78: {  	_ =	shalt  }
0x79: {  	_ =	shalt  }
0x7a: {  	_ =	shalt  }
0x7b: {  	_ =	shalt  }
0x7c: {  	_ =	shalt  }
0x7d: {  	_ =	shalt  }
0x7e: {  	_ =	shalt  }
0x7f: {  	_ =	shalt  }
0x80: {  	_ =	shalt  }
0x81: {  	_ =	shalt  }
0x82: {  	_ =	shalt  }
0x83: {  	_ =	shalt  }
0x84: {  	_ =	shalt  }
0x85: {  	_ =	shalt  }
0x86: {  	_ =	shalt  }
0x87: {  	_ =	shalt  }
.Lfunc_end0:
.L_simem_size_0:
called_computation_lowered:
.L_overlay_start_0:
0x88: {  	s2 =	sld [smem:$0x3FD9]  }
0x89: {  	s3 =	sld [smem:$0x3FFE];
	_ =	sdelay $0x1  }
0x8a: {  	s1 =	srdreg.scid  }
0x8b: {  	s0 =	sand.u32 $0x1, s1  }
0x8c: {  	s14 =	sshll.u32 s0, $0xA;
	s2 =	sadd.s32 s3, s2  }
0x8d: {  	s2 =	sadd.s32 s2, s14  }
0x8e: {  	[smem:$0x3FC7] =	sst s2  }
0x8f: {  	_ = 	snop  }
0x90: {  	s2 =	sld [smem:$0x3FD0];
	_ =	sdelay $0x2  }
0x91: {  	s15 =	simm.s32 $0xA;
	s4 =	simm.s32 $0x10  }
0x92: {  	[smem:s4], [sflag:s15] =	dma.local [hbm:s2], $0x1  }
0x93: {  	_ =	swait.eq [sflag:s15], $0x1  }
0x94: {  	[sflag:s15] =	ssyncset.done $0x0  }
0x95: {  	[sflag:s15] =	ssyncadd.s32 $0xFFFFFFFF  }
0x96: {  	s16 =	sld [smem:$0x10];
	(tm) =	ssettm $0x1  }
0x97: {  	s17 =	sld [smem:$0x3FFB];
	_ =	sdelay $0x3  }
0x98: {  	_ =	strace s17  }
0x99: {  	s3 =	sld [smem:$0x3FFC];
	_ =	sdelay $0x3  }
0x9a: {  	_ =	strace s3  }
0x9b: {  	s3 =	sld [smem:$0x3FFD];
	_ =	sdelay $0x3  }
0x9c: {  	_ =	strace s3  }
0x9d: {  	_ =	strace $0x8FFFFFFF  }
0x9e: {  	s18 =	sld [smem:$0x3FDB];
	_ =	sdelay $0x1  }
0x9f: {  	s19 =	simm.s32 $_scs_section_size  }
0xa0: {  	s5 =	simm.s32 $_size__tile_overlayer_lowered;
	s6 =	simm.s32 $_tile_overlayer_lowered  }
0xa1: {  	s22 =	simm.s32 $0x1BFF;
	s21 =	sshll.u32 s6, $0x1;
	s3 =	sadd.s32 s19, s18  }
0xa2: {  	s7 =	simm.s32 $0x0;
	s20 =	sshll.u32 s5, $0x1;
	s5 =	sadd.s32 s21, s3  }
0xa3: {  	[timem:s7], [sflag:s22] =	dma.local [hbm:s5], s20  }
0xa4: {  	_ =	swait.ge [sflag:s22], s20  }
0xa5: {  	s4 =	ssub.s32 $0x0, s20;
	[sflag:s22] =	ssyncset.done $0x0  }
0xa6: {  	[sflag:s22] =	ssyncadd.s32 s4;
	_ =	sdelay $0x1  }
0xa7: {  	s23 =	simm.s32 $0x1B8B  }
0xa8: {  	_ =	swait.ge [sflag:s23], $0x1  }
0xa9: {  	[sflag:s23] =	ssyncset.done $0x0  }
0xaa: {  	s25 =	simm.s32 $0x1B8E;
	s24 =	sld [smem:$0x3FFE];
	[sflag:s23] =	ssyncadd.s32 $0xFFFFFFFF  }
0xab: {  	s26 =	simm.s32 $execute0_lowered;
	[smem:$0x3FD2] =	sst s25  }
0xac: {  	s5 =	sshll.u32 s26, $0x1;
	_ =	strace $0x80000046;
	[dreg:$0x1] =	wrdreg $0xFFFFFFFF  }
0xad: {  	s28 =	simm.s32 $_size_execute0_lowered;
	s3 =	sadd.s32 s3, s5;
	[dreg:$0x0] =	wrdreg $0x0  }
0xae: {  	s5 =	sshll.u32 s28, $0x1;
	[dreg:$0x2] =	wrdreg s3  }
0xaf: {  	[dreg:$0x3] =	wrdreg s5  }
0xb0: {  	[dreg:$0x4] =	wrdreg $0xC0  }
0xb1: {  	_ =	task [dreg:s7], $0x5FFFF  }
0xb2: {  	[dreg:$0x1] =	wrdreg $0xFFFFFFFF  }
0xb3: {  	[dreg:$0x0] =	wrdreg $0x60  }
0xb4: {  	[dreg:$0x2] =	wrdreg s24  }
0xb5: {  	[dreg:$0x3] =	wrdreg s16  }
0xb6: {  	[dreg:$0x4] =	wrdreg $0x9  }
0xb7: {  	_ =	task.clear_ibuf [dreg:s7], $0x5FFFF;
	_ =	strace $0x90000046  }
0xb8: {  	s29 =	simm.s32 $0x9;
	_ =	strace $0x80000048  }
0xb9: {  	_ =	swait.ge [sflag:s29], $0x1  }
0xba: {  	[sflag:s29] =	ssyncadd.s32 $0xFFFFFFFF  }
0xbb: {  	_ =	strace $0x90000048  }
0xbc: {  	_ =	sfence  }
0xbd: {  	s30 =	sld [smem:$0x0];
	_ =	sdelay $0x2  }
0xbe: {  	s31 =	sshll.u32 s1, $0xD;
	s1 =	sshrl.u32 s1, $0x2  }
0xbf: {  	s3 =	sand.u32 $0x4000, s31;
	s1 =	sadd.s32 s1, s30  }
0xc0: {  	s0 =	sor.u32 s3, s0;
	s1 =	sshll.u32 s1, $0x11  }
0xc1: {  	s0 =	sor.u32 s1, s0  }
0xc2: {  	s0 =	sadd.s32 $0x8F2B, s0  }
0xc3: {  	[sflag:s0] =	ssyncadd.remote.s32 $0x1  }
0xc4: {  	_ =	sfence.sel $0xFFFF  }
0xc5: {  	[dreg:$0x0] =	wrdreg $0xFFFFFFFF;
	(pc) =	sbr.abs _section_cstart, $3  }
0xc6: {  	[dreg:$0x1] =	wrdreg $0xFFFFFFFF  }
0xc7: {  	_ =	task.clear_ibuf [dreg:s7], $0x2FFFF;
	_ =	strace $0x9FFFFFFF  }
0xc8: {  	(tm) =	ssettm $0x7FFFFFFF  }
0xc9: {  	_ =	shalt  }
tec
execute0_lowered:
.L_overlay_start_1:
0x0: {  	(tag) =	ssettag $0x1  }
0x1: {  	s0 =	srdreg.scid  }
0x2: {  	s7 =	sand.u32 $0x1, s0;
	s0 =	stileid.u32  }
0x3: {  	s4 =	sor.u32 s0, s7  }
0x4: {  	p0 =	sne.s32 s4, $0x0  }
.Ltmp0:
0x5: {  	_ = 	snop;
	(pc) =	sbr.rel @p0 .LBB2_4-.Ltmp0, $4  }
0x6: {  	_ = 	snop  }
0x7: {  	s2 =	rddreg [dreg:$0x0]  }
0x8: {  	s3 =	rddreg [dreg:$0x1]  }
0x9: {  	s1 =	rddreg [dreg:$0x2];
	_ =	strace $0x80000047  }
0xa: {  	s6 =	sadd.s32 $0x7A1400, s2;
	s5 =	simm.s32 $0x0;
	s4 =	simm.s32 $0x2  }
0xb: {  	[tilespmem:s5], [sflag:$0x2] =	stream.linear.gather [hbm4b:s6+s5], $0x80, $0x38;
	[tilespmem:$0x180] =	vst v63  }
0xc: {  	_ =	swait.ge [sflag:s4], $0x80  }
0xd: {  	[sflag:s4] =	ssyncset.done $0x0  }
0xe: {  	[sflag:s4] =	ssyncadd.s32 $0xFFFFFF80  }
0xf: {  	v4 =	vld [tilespmem:$0x30]  }
0x10: {  	v1 =	vlaneseq.u32;
	v0 =	vimm.f32 $1.000000000e+00;
	v5 =	vld [tilespmem:$0x20]  }
0x11: {  	v1 =	vmul.u32 $0xF4240, v1;
	[tilespmem:$0x100] =	vst v0;
	v6 =	vld [tilespmem:$0x0]  }
0x12: {  	[tilespmem:$0x110] =	vst v0;
	v7 =	vld [tilespmem:$0x10]  }
0x13: {  	v2 =	vadd.s32 $0x2DC6C00, v1;
	[tilespmem:$0x120] =	vst v0  }
0x14: {  	s11 =	ssub.s32 $0x2, s7;
	v3 =	vadd.s32 $0x1E84800, v1;
	[tilespmem:$0x130] =	vst v0;
	v4 =	vadd.s32 v2, v4  }
0x15: {  	s12 =	sshrl.u32 s11, $0x1;
	v5 =	vadd.s32 v3, v5;
	[tilespmem:$0xB0] =	vst v4  }
0x16: {  	s11 =	ssub.s32 s11, s12;
	v6 =	vadd.s32 v1, v6;
	v4 =	vadd.s32 $0xF42400, v1;
	[tilespmem:$0xA0] =	vst v5  }
0x17: {  	s7 =	simm.s32 $0x40;
	s8 =	simm.s32 $0x80;
	p0 =	sne.s32 s11, $0x1;
	[tilespmem:$0x80] =	vst v6;
	v5 =	vadd.s32 v4, v7  }
.Ltmp1:
0x18: {  	s9 =	simm.s32 $0x100;
	s10 =	simm.s32 $0x1;
	[tilespmem:$0x90] =	vst v5;
	(pc) =	sbr.rel @!p0 .LBB2_3-.Ltmp1, $4  }
0x19: {  	[hbm4b:s2+s7] =	stream.indirect.scatter [tilespmem:s9], [sflag:$0x1], $0x1, s8, s7, $0xb8;
	[tilespmem:$0x180] =	vst v63  }
0x1a: {  	_ =	swait.ge [sflag:s10], $0x40  }
0x1b: {  	[sflag:s10] =	ssyncset.done $0x0  }
0x1c: {  	s11 =	sadd.s32 $0xFFFFFFFF, s11;
	[sflag:s10] =	ssyncadd.s32 $0xFFFFFFC0  }
.LBB2_2:
0x1d: {  	[hbm4b:s3+s5] =	stream.linear.scatter [tilespmem:s5], [sflag:$0x2], $0x80, $0x38;
	[tilespmem:$0x180] =	vst v63  }
0x1e: {  	p0 =	sne.s32 s11, $0x1;
	s11 =	sadd.s32 $0xFFFFFFFF, s11;
	_ =	swait.ge [sflag:s4], $0x80  }
0x1f: {  	[sflag:s4] =	ssyncset.done $0x0  }
0x20: {  	[sflag:s4] =	ssyncadd.s32 $0xFFFFFF80  }
0x21: {  	[tilespmem:s5], [sflag:$0x2] =	stream.linear.gather [hbm4b:s6+s5], $0x80, $0x38;
	[tilespmem:$0x180] =	vst v63  }
0x22: {  	_ =	swait.ge [sflag:s4], $0x80  }
0x23: {  	[sflag:s4] =	ssyncset.done $0x0  }
0x24: {  	[sflag:s4] =	ssyncadd.s32 $0xFFFFFF80  }
0x25: {  	[tilespmem:$0x100] =	vst v0;
	v5 =	vld [tilespmem:$0x30]  }
0x26: {  	[tilespmem:$0x110] =	vst v0;
	v6 =	vld [tilespmem:$0x20]  }
0x27: {  	v7 =	vld [tilespmem:$0x0];
	[tilespmem:$0x120] =	vst v0  }
0x28: {  	v8 =	vld [tilespmem:$0x10];
	[tilespmem:$0x130] =	vst v0;
	_ =	sdelay $0x1  }
0x29: {  	v5 =	vadd.s32 v2, v5  }
0x2a: {  	v6 =	vadd.s32 v3, v6;
	[tilespmem:$0xB0] =	vst v5  }
0x2b: {  	v5 =	vadd.s32 v1, v7;
	[tilespmem:$0xA0] =	vst v6  }
0x2c: {  	[tilespmem:$0x80] =	vst v5;
	v5 =	vadd.s32 v4, v8  }
.Ltmp2:
0x2d: {  	[tilespmem:$0x90] =	vst v5;
	(pc) =	sbr.rel @p0 .LBB2_2-.Ltmp2, $4  }
0x2e: {  	[hbm4b:s2+s7] =	stream.indirect.scatter [tilespmem:s9], [sflag:$0x1], $0x1, s8, s7, $0xb8;
	[tilespmem:$0x180] =	vst v63  }
0x2f: {  	_ =	swait.ge [sflag:s10], $0x40  }
0x30: {  	[sflag:s10] =	ssyncset.done $0x0  }
0x31: {  	[sflag:s10] =	ssyncadd.s32 $0xFFFFFFC0  }
.LBB2_3:
0x32: {  	[hbm4b:s3+s5] =	stream.linear.scatter [tilespmem:s5], [sflag:$0x2], $0x80, $0x38;
	[tilespmem:$0x180] =	vst v63  }
0x33: {  	_ =	swait.ge [sflag:s4], $0x80  }
0x34: {  	[sflag:s4] =	ssyncset.done $0x0  }
0x35: {  	[sflag:s4] =	ssyncadd.s32 $0xFFFFFF80  }
.LBB2_4:
0x36: {  	_ =	sfence.sel $0x180000  }
0x37: {  	[bflag:$0x0] =	sbarrier.arrive $0xFFFF  }
0x38: {  	p0 =	sne.s32 s0, $0x0;
	_ =	strace $0x90000047  }
0x39: {  	s0 =	sadd.s32 @!p0 $0x100000, s1;
	[bflag:$0x2] =	sbarrier.arrive $0xFFFF  }
0x3a: {  	[sflag:s0] =	ssyncadd.tile.s32 @!p0 $0x1;
	_ =	shalt  }
.Lfunc_end2:
_tile_overlayer_lowered:
.L_overlay_start_2:
0x3b: {  	(tag) =	ssettag $0x2  }
0x3c: {  	s0 =	rddreg [dreg:$0x0];
	s2 =	stileid.u32  }
0x3d: {  	s1 =	rddreg [dreg:$0x1];
	p0 =	sne.s32 s2, $0x0  }
0x3e: {  	s3 =	rddreg [dreg:$0x2];
	[bflag:$0x3] =	sbarrier.arrive $0xFFFF;
	s2 =	simm.s32 @!p0 $0x1C02  }
0x3f: {  	[timem:s3], [sflag:s2] =	dma.local @!p0 [hbm:s0], s1  }
0x40: {  	s0 =	simm.s32 @!p0 $0x2  }
0x41: {  	_ =	swait.ge @!p0 [sflag:s0], s1  }
0x42: {  	s1 =	ssub.s32 @!p0 $0x0, s1;
	[sflag:s0] =	ssyncset.done @!p0 $0x0  }
0x43: {  	[sflag:s0] =	ssyncadd.s32 @!p0 s1  }
0x44: {  	[bflag:$0x3] =	sbarrier.arrive $0xFFFF  }
0x45: {  	_ =	shalt  }

</sc_bundles>
